<compile_context>
chip_gen: v7x
topology: tpu7x:2x2x1
jax: 0.10.2.dev20260603
libtpu: 0.0.44.dev20260713+nightly
codegen_flags: <defaults>
</compile_context>

<pallas_src>
import numpy as np
import jax
import jax.numpy as jnp
from jax.experimental import pallas as pl
from jax.experimental.pallas import tpu as pltpu

_ALL_ANCHORS = np.array(
    [[10, 13], [16, 30], [33, 23], [30, 61], [62, 45], [59, 119],
     [116, 90], [156, 198], [373, 326]], dtype=np.float32)
_ANCHOR_IDXS = np.array([0, 1, 2])
_NCLS = 80
_A = 3
_CH = 5 + _NCLS
_C_OUT = _A * _CH
_C_IN = 128
_N = 64
_HW = _N * _N
_STRIDE = 8.0

_o = np.arange(_C_OUT)
_k = _o % _CH
_M_SIG = np.where(_k < 2, _STRIDE, np.where(_k < 4, 0.0, 1.0)).astype(np.float32)
_M_EXP = np.zeros(_C_OUT, np.float32)
_anch = _ALL_ANCHORS[_ANCHOR_IDXS]
for _a in range(_A):
    _M_EXP[_a * _CH + 2] = _anch[_a, 0]
    _M_EXP[_a * _CH + 3] = _anch[_a, 1]
_M_X = np.where(_k == 0, _STRIDE, 0.0).astype(np.float32)
_M_Y = np.where(_k == 1, _STRIDE, 0.0).astype(np.float32)


def _yolo_kernel(x_ref, w_ref, b_ref, msig_ref, mexp_ref, mx_ref, my_ref,
                 out_ref):
    xb = x_ref[0]
    w = w_ref[...]
    y = jax.lax.dot_general(
        xb, w, (((0,), (1,)), ((), ())),
        preferred_element_type=jnp.float32)
    y = y + b_ref[...]
    sig = jax.nn.sigmoid(y)
    mexp = mexp_ref[...]
    ex = jnp.exp(jnp.where(mexp != 0.0, y, 0.0)) * mexp
    row = jax.lax.broadcasted_iota(jnp.int32, (_HW, 1), 0)
    wcol = (row & (_N - 1)).astype(jnp.float32)
    hcol = (row >> 6).astype(jnp.float32)
    res = sig * msig_ref[...] + ex + wcol * mx_ref[...] + hcol * my_ref[...]
    for a in range(_A):
        out_ref[0, a] = res[:, _CH * a:_CH * (a + 1)]


def kernel(x, conv_w, conv_b):
    B = x.shape[0]
    xf = x.reshape(B, _C_IN, _HW)
    w = conv_w[:, :, 0, 0]
    b = conv_b.reshape(1, _C_OUT)
    msig = jnp.asarray(_M_SIG).reshape(1, _C_OUT)
    mexp = jnp.asarray(_M_EXP).reshape(1, _C_OUT)
    mx = jnp.asarray(_M_X).reshape(1, _C_OUT)
    my = jnp.asarray(_M_Y).reshape(1, _C_OUT)

    out = pl.pallas_call(
        _yolo_kernel,
        grid=(B,),
        in_specs=[
            pl.BlockSpec((1, _C_IN, _HW), lambda i: (i, 0, 0)),
            pl.BlockSpec((_C_OUT, _C_IN), lambda i: (0, 0)),
            pl.BlockSpec((1, _C_OUT), lambda i: (0, 0)),
            pl.BlockSpec((1, _C_OUT), lambda i: (0, 0)),
            pl.BlockSpec((1, _C_OUT), lambda i: (0, 0)),
            pl.BlockSpec((1, _C_OUT), lambda i: (0, 0)),
            pl.BlockSpec((1, _C_OUT), lambda i: (0, 0)),
        ],
        out_specs=pl.BlockSpec((1, _A, _HW, _CH), lambda i: (i, 0, 0, 0)),
        out_shape=jax.ShapeDtypeStruct((B, _A, _HW, _CH), jnp.float32),
        compiler_params=pltpu.CompilerParams(
            dimension_semantics=("arbitrary",)),
    )(xf, w, b, msig, mexp, mx, my)
    return out.reshape(B, _A * _HW, _CH)

# --- scband reference (transcript-rebuilt; emitter-appended) ---
"""Pipeline reference for scband-yololayer-78898549228208 (READ-ONLY COPY).

The authoritative reference and input builder live on the scoring server;
editing this copy changes nothing except your own understanding.
"""

import jax, jax.numpy as jnp
import numpy as np

ALL_ANCHORS = np.array([[10, 13], [16, 30], [33, 23], [30, 61], [62, 45], [59, 119], [116, 90], [156, 198], [373, 326]], dtype=np.float32)
STRIDE = 8
ANCHOR_IDXS = np.array([0, 1, 2], dtype=np.int64)
N_CLASSES = 80


def setup_inputs(seed: int = 0) -> dict:
    key = jax.random.key(seed)
    k1, k2 = jax.random.split(key)
    x = jax.random.normal(k1, (16, 128, 64, 64), dtype=jnp.float32)
    # conv: in_channels=128 -> len(anchors_idxs)*(n_classes+5) = 3*85 = 255, 1x1 kernel
    conv_w = jax.random.normal(k2, (255, 128, 1, 1), dtype=jnp.float32) * 0.02
    conv_b = jnp.zeros((255,), dtype=jnp.float32)
    return {"x": x, "conv_w": conv_w, "conv_b": conv_b}


def _forward(x, conv_w, conv_b):
    # anchors buffer: all_anchors / stride, then select anchors_idxs
    anchors = jnp.asarray(ALL_ANCHORS / STRIDE)[jnp.asarray(ANCHOR_IDXS)]
    # 1x1 conv
    out = jnp.einsum('bchw,oc->bohw', x, conv_w[:, :, 0, 0]) + conv_b[None, :, None, None]
    B, C, N, _ = out.shape
    A = C // (5 + N_CLASSES)
    out = out.reshape(B, A, 5 + N_CLASSES, N, N).transpose(0, 1, 3, 4, 2)
    xy = jax.nn.sigmoid(out[..., :2])
    wh = out[..., 2:4]
    objcls = jax.nn.sigmoid(out[..., 4:])
    # out_bboxes is detached in torch (no_grad + detach)
    bb = jax.lax.stop_gradient(jnp.concatenate([xy, wh], axis=-1))
    x_shift = jnp.arange(N, dtype=jnp.float32).reshape(1, 1, 1, N)
    y_shift = jnp.arange(N, dtype=jnp.float32).reshape(1, 1, N, 1)
    bx = bb[..., 0] + x_shift
    by = bb[..., 1] + y_shift
    bw = jnp.exp(bb[..., 2]) * anchors[:, 0].reshape(1, A, 1, 1)
    bh = jnp.exp(bb[..., 3]) * anchors[:, 1].reshape(1, A, 1, 1)
    bboxes = jnp.stack([bx, by, bw, bh], axis=-1)
    pred = jnp.concatenate([bboxes * STRIDE, objcls], axis=-1)
    return pred.reshape(B, -1, 5 + N_CLASSES)


def reference(x, conv_w, conv_b):
    # labels=None inference path: returns decoded predictions `pred`
    return _forward(x, conv_w, conv_b)

if __name__ == "__main__":
    import jax
    _d = setup_inputs()
    print(jax.jit(kernel)(*tuple(_d.values())))

</pallas_src>

<mosaic_0001>
module attributes {stable_mosaic.version = 14 : i64} {
  func.func @_yolo_kernel(%arg0: i32, %arg1: memref<1x128x4096xf32, #tpu.memory_space<vmem>>, %arg2: memref<255x128xf32, #tpu.memory_space<vmem>>, %arg3: memref<1x255xf32, #tpu.memory_space<vmem>>, %arg4: memref<1x255xf32, #tpu.memory_space<vmem>>, %arg5: memref<1x255xf32, #tpu.memory_space<vmem>>, %arg6: memref<1x255xf32, #tpu.memory_space<vmem>>, %arg7: memref<1x255xf32, #tpu.memory_space<vmem>>, %arg8: memref<1x3x4096x85xf32, #tpu.memory_space<vmem>>) attributes {dimension_semantics = [#tpu.dimension_semantics<arbitrary>], iteration_bounds = array<i64: 16>, scalar_prefetch = 0 : i64, scratch_operands = 0 : i64, tpu.core_type = #tpu.core_type<tc>, window_params = [{transform_indices = @transform_0, window_bounds = array<i64: 1, 128, 4096>}, {pipeline_mode = #tpu.pipeline_mode<synchronous>, transform_indices = @transform_1, window_bounds = array<i64: 255, 128>}, {pipeline_mode = #tpu.pipeline_mode<synchronous>, transform_indices = @transform_2, window_bounds = array<i64: 1, 255>}, {pipeline_mode = #tpu.pipeline_mode<synchronous>, transform_indices = @transform_3, window_bounds = array<i64: 1, 255>}, {pipeline_mode = #tpu.pipeline_mode<synchronous>, transform_indices = @transform_4, window_bounds = array<i64: 1, 255>}, {pipeline_mode = #tpu.pipeline_mode<synchronous>, transform_indices = @transform_5, window_bounds = array<i64: 1, 255>}, {pipeline_mode = #tpu.pipeline_mode<synchronous>, transform_indices = @transform_6, window_bounds = array<i64: 1, 255>}, {transform_indices = @transform_7, window_bounds = array<i64: 1, 3, 4096, 85>}]} {
    %get3A = arith.constant 0 : index
    %get3A_0 = arith.constant 0 : index
    %get3A_1 = arith.constant 0 : index
    %get3A_2 = vector.load %arg1[%get3A, %get3A_0, %get3A_1] : memref<1x128x4096xf32, #tpu.memory_space<vmem>>, vector<1x128x4096xf32>
    %get3A_3 = vector.shape_cast %get3A_2 : vector<1x128x4096xf32> to vector<128x4096xf32>
    %get3A_4 = arith.constant 0 : index
    %get3A_5 = arith.constant 0 : index
    %get3A_6 = vector.load %arg2[%get3A_4, %get3A_5] : memref<255x128xf32, #tpu.memory_space<vmem>>, vector<255x128xf32>
    %dot_general3A = arith.constant dense<0.000000e+00> : vector<4096x255xf32>
    %dot_general3A_7 = tpu.matmul %get3A_3, %get3A_6, %dot_general3A {dimension_numbers = #tpu.dot_dimension_numbers<[0], [1], [1], [0], [0, 1, 1, 0], [], []>, transpose_lhs_hint = false} : vector<128x4096xf32>, vector<255x128xf32>, vector<4096x255xf32> -> vector<4096x255xf32>
    %get3A_8 = arith.constant 0 : index
    %get3A_9 = arith.constant 0 : index
    %get3A_10 = vector.load %arg3[%get3A_8, %get3A_9] : memref<1x255xf32, #tpu.memory_space<vmem>>, vector<1x255xf32>
    %add3A = vector.broadcast %get3A_10 : vector<1x255xf32> to vector<4096x255xf32>
    %add3A_11 = arith.addf %dot_general3A_7, %add3A : vector<4096x255xf32>
    %logistic3A = arith.negf %add3A_11 : vector<4096x255xf32>
    %logistic3A_12 = math.exp %logistic3A : vector<4096x255xf32>
    %logistic3A_13 = arith.constant 1.000000e+00 : f32
    %logistic3A_14 = vector.broadcast %logistic3A_13 : f32 to vector<4096x255xf32>
    %logistic3A_15 = arith.addf %logistic3A_14, %logistic3A_12 : vector<4096x255xf32>
    %logistic3A_16 = arith.divf %logistic3A_14, %logistic3A_15 : vector<4096x255xf32>
    %get3A_17 = arith.constant 0 : index
    %get3A_18 = arith.constant 0 : index
    %get3A_19 = vector.load %arg5[%get3A_17, %get3A_18] : memref<1x255xf32, #tpu.memory_space<vmem>>, vector<1x255xf32>
    %ne3A = arith.constant 0.000000e+00 : f32
    %ne3A_20 = vector.broadcast %ne3A : f32 to vector<1x255xf32>
    %ne3A_21 = arith.cmpf one, %get3A_19, %ne3A_20 : vector<1x255xf32>
    %jit3A = arith.constant 0.000000e+00 : f32
    %broadcast_in_dim3A = vector.shape_cast %ne3A_21 : vector<1x255xi1> to vector<1x255xi1>
    %broadcast_in_dim3A_22 = vector.broadcast %broadcast_in_dim3A : vector<1x255xi1> to vector<4096x255xi1>
    %broadcast_in_dim3A_23 = vector.broadcast %jit3A : f32 to vector<4096x255xf32>
    %select_n3A = arith.select %broadcast_in_dim3A_22, %add3A_11, %broadcast_in_dim3A_23 : vector<4096x255xi1>, vector<4096x255xf32>
    %exp3A = math.exp %select_n3A : vector<4096x255xf32>
    %mul3A = vector.broadcast %get3A_19 : vector<1x255xf32> to vector<4096x255xf32>
    %mul3A_24 = arith.mulf %exp3A, %mul3A : vector<4096x255xf32>
    %iota3A = tpu.iota {dimensions = array<i32: 0>} : vector<4096x1xi32>
    %and3A = arith.constant 63 : i32
    %and3A_25 = vector.broadcast %and3A : i32 to vector<4096x1xi32>
    %and3A_26 = arith.andi %iota3A, %and3A_25 : vector<4096x1xi32>
    %convert_element_type3A = arith.sitofp %and3A_26 : vector<4096x1xi32> to vector<4096x1xf32>
    %shift_right_arithmetic3A = arith.constant 6 : i32
    %shift_right_arithmetic3A_27 = vector.broadcast %shift_right_arithmetic3A : i32 to vector<4096x1xi32>
    %shift_right_arithmetic3A_28 = arith.shrsi %iota3A, %shift_right_arithmetic3A_27 : vector<4096x1xi32>
    %convert_element_type3A_29 = arith.sitofp %shift_right_arithmetic3A_28 : vector<4096x1xi32> to vector<4096x1xf32>
    %get3A_30 = arith.constant 0 : index
    %get3A_31 = arith.constant 0 : index
    %get3A_32 = vector.load %arg4[%get3A_30, %get3A_31] : memref<1x255xf32, #tpu.memory_space<vmem>>, vector<1x255xf32>
    %mul3A_33 = vector.broadcast %get3A_32 : vector<1x255xf32> to vector<4096x255xf32>
    %mul3A_34 = arith.mulf %logistic3A_16, %mul3A_33 : vector<4096x255xf32>
    %add3A_35 = arith.addf %mul3A_34, %mul3A_24 : vector<4096x255xf32>
    %get3A_36 = arith.constant 0 : index
    %get3A_37 = arith.constant 0 : index
    %get3A_38 = vector.load %arg6[%get3A_36, %get3A_37] : memref<1x255xf32, #tpu.memory_space<vmem>>, vector<1x255xf32>
    %mul3A_39 = vector.broadcast %convert_element_type3A : vector<4096x1xf32> to vector<4096x255xf32>
    %mul3A_40 = vector.broadcast %get3A_38 : vector<1x255xf32> to vector<4096x255xf32>
    %mul3A_41 = arith.mulf %mul3A_39, %mul3A_40 : vector<4096x255xf32>
    %add3A_42 = arith.addf %add3A_35, %mul3A_41 : vector<4096x255xf32>
    %get3A_43 = arith.constant 0 : index
    %get3A_44 = arith.constant 0 : index
    %get3A_45 = vector.load %arg7[%get3A_43, %get3A_44] : memref<1x255xf32, #tpu.memory_space<vmem>>, vector<1x255xf32>
    %mul3A_46 = vector.broadcast %convert_element_type3A_29 : vector<4096x1xf32> to vector<4096x255xf32>
    %mul3A_47 = vector.broadcast %get3A_45 : vector<1x255xf32> to vector<4096x255xf32>
    %mul3A_48 = arith.mulf %mul3A_46, %mul3A_47 : vector<4096x255xf32>
    %add3A_49 = arith.addf %add3A_42, %mul3A_48 : vector<4096x255xf32>
    %slice3A = vector.extract_strided_slice %add3A_49 {offsets = [0, 0], sizes = [4096, 85], strides = [1, 1]} : vector<4096x255xf32> to vector<4096x85xf32>
    %swap3A = arith.constant 0 : index
    %swap3A_50 = arith.constant 0 : index
    %swap3A_51 = arith.constant 0 : index
    %swap3A_52 = arith.constant 0 : index
    %swap3A_53 = vector.load %arg8[%swap3A, %swap3A_50, %swap3A_51, %swap3A_52] : memref<1x3x4096x85xf32, #tpu.memory_space<vmem>>, vector<1x1x4096x85xf32>
    %swap3A_54 = vector.shape_cast %swap3A_53 : vector<1x1x4096x85xf32> to vector<4096x85xf32>
    %swap3A_55 = vector.shape_cast %slice3A : vector<4096x85xf32> to vector<1x1x4096x85xf32>
    tpu.vector_store %arg8[%swap3A, %swap3A_50, %swap3A_51, %swap3A_52], %swap3A_55 {strides = array<i32>} : memref<1x3x4096x85xf32, #tpu.memory_space<vmem>>, vector<1x1x4096x85xf32>,
    %slice3A_56 = vector.extract_strided_slice %add3A_49 {offsets = [0, 85], sizes = [4096, 85], strides = [1, 1]} : vector<4096x255xf32> to vector<4096x85xf32>
    %swap3A_57 = arith.constant 0 : index
    %swap3A_58 = arith.constant 1 : index
    %swap3A_59 = arith.constant 0 : index
    %swap3A_60 = arith.constant 0 : index
    %swap3A_61 = vector.load %arg8[%swap3A_57, %swap3A_58, %swap3A_59, %swap3A_60] : memref<1x3x4096x85xf32, #tpu.memory_space<vmem>>, vector<1x1x4096x85xf32>
    %swap3A_62 = vector.shape_cast %swap3A_61 : vector<1x1x4096x85xf32> to vector<4096x85xf32>
    %swap3A_63 = vector.shape_cast %slice3A_56 : vector<4096x85xf32> to vector<1x1x4096x85xf32>
    tpu.vector_store %arg8[%swap3A_57, %swap3A_58, %swap3A_59, %swap3A_60], %swap3A_63 {strides = array<i32>} : memref<1x3x4096x85xf32, #tpu.memory_space<vmem>>, vector<1x1x4096x85xf32>,
    %slice3A_64 = vector.extract_strided_slice %add3A_49 {offsets = [0, 170], sizes = [4096, 85], strides = [1, 1]} : vector<4096x255xf32> to vector<4096x85xf32>
    %swap3A_65 = arith.constant 0 : index
    %swap3A_66 = arith.constant 2 : index
    %swap3A_67 = arith.constant 0 : index
    %swap3A_68 = arith.constant 0 : index
    %swap3A_69 = vector.load %arg8[%swap3A_65, %swap3A_66, %swap3A_67, %swap3A_68] : memref<1x3x4096x85xf32, #tpu.memory_space<vmem>>, vector<1x1x4096x85xf32>
    %swap3A_70 = vector.shape_cast %swap3A_69 : vector<1x1x4096x85xf32> to vector<4096x85xf32>
    %swap3A_71 = vector.shape_cast %slice3A_64 : vector<4096x85xf32> to vector<1x1x4096x85xf32>
    tpu.vector_store %arg8[%swap3A_65, %swap3A_66, %swap3A_67, %swap3A_68], %swap3A_71 {strides = array<i32>} : memref<1x3x4096x85xf32, #tpu.memory_space<vmem>>, vector<1x1x4096x85xf32>,
    return
  }
  func.func @transform_0(%arg0: i32) -> (i32, i32, i32) {
    %c0_i32 = arith.constant 0 : i32
    %c0_i32_0 = arith.constant 0 : i32
    %c0_i32_1 = arith.constant 0 : i32
    return %arg0, %c0_i32, %c0_i32_0 : i32, i32, i32
  }
  func.func @transform_1(%arg0: i32) -> (i32, i32) {
    %c0_i32 = arith.constant 0 : i32
    %c0_i32_0 = arith.constant 0 : i32
    %c0_i32_1 = arith.constant 0 : i32
    return %c0_i32, %c0_i32_0 : i32, i32
  }
  func.func @transform_2(%arg0: i32) -> (i32, i32) {
    %c0_i32 = arith.constant 0 : i32
    %c0_i32_0 = arith.constant 0 : i32
    %c0_i32_1 = arith.constant 0 : i32
    return %c0_i32, %c0_i32_0 : i32, i32
  }
  func.func @transform_3(%arg0: i32) -> (i32, i32) {
    %c0_i32 = arith.constant 0 : i32
    %c0_i32_0 = arith.constant 0 : i32
    %c0_i32_1 = arith.constant 0 : i32
    return %c0_i32, %c0_i32_0 : i32, i32
  }
  func.func @transform_4(%arg0: i32) -> (i32, i32) {
    %c0_i32 = arith.constant 0 : i32
    %c0_i32_0 = arith.constant 0 : i32
    %c0_i32_1 = arith.constant 0 : i32
    return %c0_i32, %c0_i32_0 : i32, i32
  }
  func.func @transform_5(%arg0: i32) -> (i32, i32) {
    %c0_i32 = arith.constant 0 : i32
    %c0_i32_0 = arith.constant 0 : i32
    %c0_i32_1 = arith.constant 0 : i32
    return %c0_i32, %c0_i32_0 : i32, i32
  }
  func.func @transform_6(%arg0: i32) -> (i32, i32) {
    %c0_i32 = arith.constant 0 : i32
    %c0_i32_0 = arith.constant 0 : i32
    %c0_i32_1 = arith.constant 0 : i32
    return %c0_i32, %c0_i32_0 : i32, i32
  }
  func.func @transform_7(%arg0: i32) -> (i32, i32, i32, i32) {
    %c0_i32 = arith.constant 0 : i32
    %c0_i32_0 = arith.constant 0 : i32
    %c0_i32_1 = arith.constant 0 : i32
    %c0_i32_2 = arith.constant 0 : i32
    return %arg0, %c0_i32, %c0_i32_0, %c0_i32_1 : i32, i32, i32, i32
  }
}

</mosaic_0001>

<sc_bundles>
// kernel: sparse-core-data-format-call.cloned.1.call-start
scs
called_computation_lowered:
.L_overlay_start_0:
0x0: {  	s2 =	sld [smem:$0x3FD9]  }
0x1: {  	s3 =	sld [smem:$0x3FFE];
	_ =	sdelay $0x1  }
0x2: {  	s1 =	srdreg.scid  }
0x3: {  	s0 =	sand.u32 $0x1, s1  }
0x4: {  	s18 =	sshll.u32 s0, $0xA;
	s2 =	sadd.s32 s3, s2  }
0x5: {  	s2 =	sadd.s32 s2, s18  }
0x6: {  	[smem:$0x3FC5] =	sst s2  }
0x7: {  	_ = 	snop  }
0x8: {  	s2 =	sld [smem:$0x3FD0];
	(tm) =	ssettm $0x1  }
0x9: {  	s19 =	sld [smem:$0x3FFB];
	_ =	sdelay $0x3  }
0xa: {  	_ =	strace s19  }
0xb: {  	s3 =	sld [smem:$0x3FFC];
	_ =	sdelay $0x3  }
0xc: {  	_ =	strace s3  }
0xd: {  	s3 =	sld [smem:$0x3FFD];
	_ =	sdelay $0x3  }
0xe: {  	_ =	strace s3  }
0xf: {  	_ =	strace $0x8FFFFFFF  }
0x10: {  	s20 =	sld [smem:$0x3FDB];
	_ =	sdelay $0x1  }
0x11: {  	s4 =	simm.s32 $_scs_section_size  }
0x12: {  	s5 =	simm.s32 $_size__tile_overlayer_lowered;
	s6 =	simm.s32 $_tile_overlayer_lowered  }
0x13: {  	s23 =	simm.s32 $0x1BFF;
	s22 =	sshll.u32 s6, $0x1;
	s3 =	sadd.s32 s4, s20  }
0x14: {  	s7 =	simm.s32 $0x0;
	s21 =	sshll.u32 s5, $0x1;
	s5 =	sadd.s32 s22, s3  }
0x15: {  	[timem:s7], [sflag:s23] =	dma.local [hbm:s5], s21  }
0x16: {  	_ =	swait.ge [sflag:s23], s21  }
0x17: {  	s4 =	ssub.s32 $0x0, s21;
	[sflag:s23] =	ssyncset.done $0x0  }
0x18: {  	[sflag:s23] =	ssyncadd.s32 s4;
	_ =	sdelay $0x1  }
0x19: {  	s24 =	simm.s32 $0x1B8B  }
0x1a: {  	_ =	swait.ge [sflag:s24], $0x1  }
0x1b: {  	[sflag:s24] =	ssyncset.done $0x0  }
0x1c: {  	s26 =	simm.s32 $0x1B8E;
	s25 =	sld [smem:$0x3FFE];
	[sflag:s24] =	ssyncadd.s32 $0xFFFFFFFF  }
0x1d: {  	s27 =	simm.s32 $execute0_lowered;
	[smem:$0x3FD2] =	sst s26  }
0x1e: {  	s5 =	sshll.u32 s27, $0x1;
	_ =	strace $0x80000046;
	[dreg:$0x1] =	wrdreg $0xFFFFFFFF  }
0x1f: {  	s28 =	simm.s32 $_size_execute0_lowered;
	s3 =	sadd.s32 s3, s5;
	[dreg:$0x0] =	wrdreg $0x0  }
0x20: {  	s5 =	sshll.u32 s28, $0x1;
	[dreg:$0x2] =	wrdreg s3  }
0x21: {  	[dreg:$0x3] =	wrdreg s5  }
0x22: {  	[dreg:$0x4] =	wrdreg $0xC0  }
0x23: {  	_ =	task [dreg:s7], $0x5FFFF  }
0x24: {  	[dreg:$0x1] =	wrdreg $0xFFFFFFFF  }
0x25: {  	[dreg:$0x0] =	wrdreg $0x60  }
0x26: {  	[dreg:$0x2] =	wrdreg s25  }
0x27: {  	[dreg:$0x3] =	wrdreg s2  }
0x28: {  	[dreg:$0x4] =	wrdreg $0x9  }
0x29: {  	_ =	task.clear_ibuf [dreg:s7], $0x5FFFF;
	_ =	strace $0x90000046  }
0x2a: {  	s29 =	simm.s32 $0x9;
	_ =	strace $0x80000048  }
0x2b: {  	_ =	swait.ge [sflag:s29], $0x1  }
0x2c: {  	[sflag:s29] =	ssyncadd.s32 $0xFFFFFFFF  }
0x2d: {  	_ =	strace $0x90000048  }
0x2e: {  	_ =	sfence  }
0x2f: {  	s30 =	sld [smem:$0x0];
	_ =	sdelay $0x2  }
0x30: {  	s31 =	sshll.u32 s1, $0xD;
	s1 =	sshrl.u32 s1, $0x2  }
0x31: {  	s3 =	sand.u32 $0x4000, s31;
	s1 =	sadd.s32 s1, s30  }
0x32: {  	s0 =	sor.u32 s3, s0;
	s1 =	sshll.u32 s1, $0x11  }
0x33: {  	s0 =	sor.u32 s1, s0  }
0x34: {  	s0 =	sadd.s32 $0x8F2B, s0  }
0x35: {  	[sflag:s0] =	ssyncadd.remote.s32 $0x1  }
0x36: {  	_ =	sfence.sel $0xFFFF  }
0x37: {  	[dreg:$0x0] =	wrdreg $0xFFFFFFFF;
	(pc) =	sbr.abs _section_cstart, $3  }
0x38: {  	[dreg:$0x1] =	wrdreg $0xFFFFFFFF  }
0x39: {  	_ =	task.clear_ibuf [dreg:s7], $0x2FFFF;
	_ =	strace $0x9FFFFFFF  }
0x3a: {  	(tm) =	ssettm $0x7FFFFFFF  }
0x3b: {  	_ =	shalt  }
tec
execute0_lowered:
.L_overlay_start_1:
0x0: {  	(tag) =	ssettag $0x1  }
0x1: {  	s3 =	rddreg [dreg:$0x0];
	s0 =	srdreg.scid  }
0x2: {  	s1 =	rddreg [dreg:$0x1];
	s4 =	simm.s32 $0x1;
	s7 =	simm.s32 $0x2  }
0x3: {  	s14 =	simm.s32 $0x0;
	p0 =	por $0x0, $0x0;
	s15 =	simm.s32 $0x0  }
0x4: {  	s9 =	simm.s32 $0x0;
	s10 =	simm.s32 $0x0;
	s2 =	sshll.u32 s0, $0x7  }
0x5: {  	s12 =	stileid.u32;
	s13 =	simm.s32 $0x0;
	s2 =	sand.u32 $0x80, s2  }
.Ltmp0:
0x6: {  	s0 =	rddreg [dreg:$0x2];
	s6 =	ssub.s32 $0x3000, s2;
	(pc) =	sbr.rel .LBB1_1-.Ltmp0, $4  }
0x7: {  	_ =	strace $0x80000047;
	s5 =	sadd.s32 $0xE00, s3;
	s31 =	sshrl.u32 s6, $0x7  }
0x8: {  	[sflag:s4] =	ssyncpa.u1 $0x0;
	s6 =	sshrl.u32 s6, $0x8;
	s8 =	sand.u32 $0x1, s31  }
0x9: {  	s3 =	stileid.u32;
	[sflag:s7] =	ssyncpa.u1 $0x0;
	s6 =	sadd.s32 s6, s8  }
0xa: {  	s11 =	smov.u32 s2;
	s8 =	simm.s32 $0x30000;
	s7 =	sadd.s32 $0x1, s6  }
.LBB1_4:
0xb: {  	s21 =	sshrl.u32 s10, $0x3;
	s22 =	sshll.u32 s9, $0x3  }
0xc: {  	s23 =	sshll.u32 s10, $0x7;
	s24 =	sand.u32 $0x7F, s9;
	s20 =	sshra.s32 s20, $0x2  }
0xd: {  	p1 =	sgt.s32 s10, $0xF;
	s30 =	sshra.s32 s10, $0x1F;
	s25 =	sshra.s32 s9, $0x1F  }
0xe: {  	s21 =	smul.u32 $0x18000, s21;
	s22 =	sand.u32 $0xFFFFFC00, s22;
	s23 =	sand.u32 $0x380, s23  }
0xf: {  	s19 =	sadd.s32 s20, s19;
	s20 =	smov.u32 s10;
	s26 =	sand.u32 s25, s9  }
0x10: {  	v5 =	vld [tilespmem:s17+$0xFFFFFFD0];
	[tilespmem:s18+$0x2040 ss:$0x81] =	vst.msk $0xffff, v4;
	s28 =	sor.u32 s24, s23;
	s20 =	simm.s32 @!p1 $0xF;
	s24 =	sand.u32 s30, s10  }
0x11: {  	v58 =	vld [tilespmem:s17+$0xFFFFFFE0];
	[tilespmem:s18+$0x2850 ss:$0x81] =	vst.msk $0xffff, v3;
	p1 =	sgt.s32 s9, $0x2F80;
	s21 =	sadd.s32 s21, s22;
	s20 =	ssub.s32 s20, s24  }
0x12: {  	v59 =	vld [tilespmem:s17+$0xFFFFFFF0];
	[tilespmem:s18+$0x3060 ss:$0x81] =	vst.msk $0xffff, v2;
	s24 =	smov.u32 s9;
	s22 =	sor.u32 s21, s28;
	s31 =	smulhi.u32 $0xAAAAAAAB, s21  }
0x13: {  	[tilespmem:s18+$0x0 ss:$0x81] =	vst.msk $0xffff, v1;
	v60 =	vld [tilespmem:s17+$0x0];
	s24 =	simm.s32 @!p1 $0x2F80;
	s27 =	sadd.s32 $0xFFFFFFF1, s20;
	s29 =	smulhi.u32 $0xAAAAAAAB, s22  }
0x14: {  	v61 =	vld [tilespmem:s17+$0x10];
	[tilespmem:s19+$0x3870 ss:$0x81] =	vst.msk $0xffff, v0;
	s20 =	ssub.s32 $0x10, s20;
	s21 =	ssub.s32 s24, s26;
	p1 =	sgt.s32 s27, $0x0  }
0x15: {  	v62 =	vld [tilespmem:s17+$0x20];
	[tilespmem:s19+$0x810 ss:$0x81] =	vst.msk $0xffff, v5;
	s20 =	smul.u32 $0x55, s20;
	s28 =	sadd.s32 $0xFFFFD080, s21;
	s23 =	sshrl.u32 s29, $0xD  }
0x16: {  	v63 =	vld [tilespmem:s17+$0xFFFFFFC0];
	[tilespmem:s19+$0x1020 ss:$0x81] =	vst.msk $0xffff, v58;
	s21 =	ssub.s32 $0x3000, s21;
	s18 =	sshrl.u32 s31, $0xD;
	s29 =	smul.u32 $0x3000, s23  }
0x17: {  	[tilespmem:s19+$0x1830 ss:$0x81] =	vst.msk $0xffff, v59;
	p2 =	sgt.s32 s28, $0x7F;
	s20 =	simm.s32 @p1 $0x0;
	s18 =	sand.u32 $0xF, s18  }
0x18: {  	[tilespmem:s19+$0x2040 ss:$0x81] =	vst.msk $0xffff, v60;
	s21 =	simm.s32 @p2 $0x0;
	s18 =	smul.u32 $0x600, s18;
	s17 =	ssub.s32 s22, s29  }
0x19: {  	[tilespmem:s19+$0x2850 ss:$0x81] =	vst.msk $0xffff, v61;
	s20 =	smul.u32 s21, s20;
	s30 =	sshrl.u32 s17, $0x3;
	s17 =	sand.u32 $0x7, s17  }
0x1a: {  	[tilespmem:s19+$0x3060 ss:$0x81] =	vst.msk $0xffff, v62;
	s21 =	sadd.s32 s1, s30;
	s17 =	sshll.u32 s17, $0x12  }
0x1b: {  	[tilespmem:s19+$0x0 ss:$0x81] =	vst.msk $0xffff, v63;
	s31 =	sand.u32 $0x3FFFFFFF, s20;
	s18 =	sadd.s32 s18, s21;
	s17 =	sor.u32 $0x80, s17  }
0x1c: {  	[hbm4b:s18+s17] =	stream.strided.scatter [tilespmem:s16], [sflag:$0x2], s31, s8, s17, $0x20;
	[tilespmem:$0x10100] =	vst v63  }
.LBB1_5:
0x1d: {  	p1 =	slt.u32 s13, $0x2  }
0x1e: {  	s17 =	smov.u32 s15;
	p2 =	sgt.s32 @!p1 s15, $0xF;
	s16 =	sshra.s32 @!p1 s15, $0x1F  }
0x1f: {  	p3 =	sgt.s32 @!p1 s14, $0x2F80;
	s18 =	sshra.s32 @!p1 s14, $0x1F;
	p2 =	por !p2, p1  }
0x20: {  	s15 =	sand.u32 @!p1 s16, s15;
	p3 =	por !p3, p1;
	s16 =	smov.u32 s14  }
0x21: {  	s14 =	sand.u32 @!p1 s18, s14;
	s17 =	simm.s32 @p2 $0xF;
	s16 =	simm.s32 @p3 $0x2F80  }
0x22: {  	s18 =	smov.u32 s12;
	s15 =	ssub.s32 @!p1 s17, s15;
	s14 =	ssub.s32 @!p1 s16, s14  }
0x23: {  	s16 =	sadd.s32 @!p1 $0xFFFFFFF1, s15;
	s15 =	ssub.s32 @!p1 $0x10, s15;
	s17 =	sadd.s32 @!p1 $0xFFFFD080, s14  }
0x24: {  	p2 =	sgt.s32 @!p1 s16, $0x0;
	s15 =	smul.u32 @!p1 $0x55, s15;
	p3 =	sgt.s32 @!p1 s17, $0x7F  }
0x25: {  	s14 =	ssub.s32 @!p1 $0x3000, s14;
	p2 =	por !p2, p1;
	p3 =	por !p3, p1  }
0x26: {  	s16 =	sadd.s32 $0x100, s11;
	s15 =	simm.s32 @!p2 $0x0;
	s14 =	simm.s32 @!p3 $0x0  }
0x27: {  	p2 =	sgt.s32 s16, $0x2FFF;
	s14 =	smul.u32 @!p1 s14, s15;
	s15 =	sadd.s32 $0x10, s12  }
0x28: {  	s18 =	smov.u32 @p2 s15  }
0x29: {  	s16 =	smov.u32 @p2 s2;
	p2 =	sgt.s32 s18, $0xF  }
0x2a: {  	s18 =	smov.u32 @p2 s3;
	p2 =	sne.s32 s13, s7  }
.Ltmp1:
0x2b: {  	p0 =	por !p0, !p0;
	s17 =	simm.s32 @!p1 $0x2;
	(pc) =	sbr.rel @!p2 .LBB1_6-.Ltmp1, $4  }
0x2c: {  	s15 =	smov.u32 s10;
	s10 =	smov.u32 s12;
	s14 =	sand.u32 @!p1 $0x3FFFFFFF, s14  }
0x2d: {  	_ =	swait.ge @!p1 [sflag:s17], s14;
	s19 =	ssub.s32 @!p1 $0x0, s14;
	s14 =	smov.u32 s9  }
0x2e: {  	s13 =	sadd.s32 $0x1, s13;
	s9 =	smov.u32 s11;
	[sflag:s17] =	ssyncset.done @!p1 $0x0  }
0x2f: {  	s11 =	smov.u32 s16;
	s12 =	smov.u32 s18;
	[sflag:s17] =	ssyncadd.s32 @!p1 s19  }
.LBB1_1:
0x30: {  	p1 =	sge.u32 s13, s6  }
0x31: {  	s16 =	sand.u32 @!p1 $0x1FFFFFF, s11  }
0x32: {  	s17 =	smulhi.u32 @!p1 $0xAAAAAB, s16;
	_ =	sdelay $0x1  }
0x33: {  	s17 =	sshrl.u32 @!p1 s17, $0x5  }
0x34: {  	s17 =	smul.u32 @!p1 $0x3000, s17  }
0x35: {  	s18 =	smul.u32 @!p1 $0x30000, s12  }
0x36: {  	s31 =	sadd.s32 $0xFFFFFFFF, s13;
	s16 =	ssub.s32 @!p1 s16, s17;
	s17 =	sxor.u32 @!p1 $0xFFFFFFFF, s13  }
0x37: {  	s18 =	sadd.s32 @!p1 s5, s18;
	s17 =	sshll.u32 @!p1 s17, $0xE;
	s16 =	sshll.u32 @!p1 s16, $0x4  }
0x38: {  	s17 =	sand.u32 @!p1 $0x4000, s17;
	s16 =	sadd.s32 @!p1 s16, s18;
	s18 =	simm.s32 @!p1 $0x0  }
0x39: {  	[tilespmem:s17], [sflag:$0x1] =	stream.linear.gather @!p1 [hbm4b:s16+s18], $0x4000, $0x38;
	[tilespmem:$0x10100] =	vst v63  }
0x3a: {  	p1 =	sge.u32 s31, s6  }
.Ltmp2:
0x3b: {  	_ = 	snop;
	(pc) =	sbr.rel @p1 .LBB1_5-.Ltmp2, $1  }
0x3c: {  	_ =	sdelay $0x3  }
0x3d: {  	s16 =	simm.s32 $0x1  }
0x3e: {  	_ =	swait.ge [sflag:s4], $0x4000;
	s16 =	simm.s32 @!p0 $0x0  }
0x3f: {  	[sflag:s4] =	ssyncset.done $0x0;
	s17 =	sshll.u32 s16, $0xE  }
0x40: {  	[sflag:s4] =	ssyncadd.s32 $0xFFFFC000;
	s17 =	sor.u32 $0x40, s17  }
0x41: {  	s16 =	smul.u32 $0x10200, s16;
	v0 =	vld [tilespmem:s17+$0x30]  }
0x42: {  	v1 =	vld [tilespmem:s17+$0xFFFFFFD0]  }
0x43: {  	s16 =	sshrl.u32 s16, $0x2;
	v5 =	vld [tilespmem:s17+$0xFFFFFFE0]  }
0x44: {  	v6 =	vld [tilespmem:s17+$0xFFFFFFF0];
	s19 =	sor.u32 $0x8000, s16  }
0x45: {  	s31 =	sand.u32 $0x1, s13;
	v4 =	vld [tilespmem:s17+$0x0];
	s18 =	sadd.s32 $0x0, s19  }
0x46: {  	v3 =	vld [tilespmem:s17+$0x10];
	s16 =	smul.u32 $0x10200, s31;
	[tilespmem:s18+$0x3870 ss:$0x81] =	vst.msk $0xffff, v0  }
0x47: {  	v2 =	vld [tilespmem:s17+$0x20];
	[tilespmem:s18+$0x810 ss:$0x81] =	vst.msk $0xffff, v1  }
0x48: {  	s16 =	sshrl.u32 s16, $0x2;
	v1 =	vld [tilespmem:s17+$0xFFFFFFC0];
	[tilespmem:s18+$0x1020 ss:$0x81] =	vst.msk $0xffff, v5;
	s17 =	sadd.s32 $0x80, s17  }
0x49: {  	s20 =	simm.s32 $0x4;
	s21 =	simm.s32 $0x8;
	s16 =	sor.u32 $0x8000, s16;
	[tilespmem:s18+$0x1830 ss:$0x81] =	vst.msk $0xffff, v6;
	v0 =	vld [tilespmem:s17+$0x30]  }
.LBB1_3:
0x4a: {  	p1 =	sne.s32 s21, $0x1FC;
	v5 =	vld [tilespmem:s17+$0xFFFFFFD0];
	[tilespmem:s18+$0x2040 ss:$0x81] =	vst.msk $0xffff, v4  }
0x4b: {  	v6 =	vld [tilespmem:s17+$0xFFFFFFE0];
	[tilespmem:s18+$0x2850 ss:$0x81] =	vst.msk $0xffff, v3  }
0x4c: {  	s22 =	sshra.s32 s20, $0x2;
	s20 =	smov.u32 s21;
	v7 =	vld [tilespmem:s17+$0xFFFFFFF0];
	[tilespmem:s18+$0x3060 ss:$0x81] =	vst.msk $0xffff, v2  }
.Ltmp3:
0x4d: {  	v4 =	vld [tilespmem:s17+$0x0];
	[tilespmem:s18+$0x0 ss:$0x81] =	vst.msk $0xffff, v1;
	s18 =	sadd.s32 s22, s19;
	(pc) =	sbr.rel @p1 .LBB1_3-.Ltmp3, $4  }
0x4e: {  	v3 =	vld [tilespmem:s17+$0x10];
	[tilespmem:s18+$0x3870 ss:$0x81] =	vst.msk $0xffff, v0  }
0x4f: {  	[tilespmem:s18+$0x810 ss:$0x81] =	vst.msk $0xffff, v5;
	v2 =	vld [tilespmem:s17+$0x20]  }
0x50: {  	v1 =	vld [tilespmem:s17+$0xFFFFFFC0];
	[tilespmem:s18+$0x1020 ss:$0x81] =	vst.msk $0xffff, v6;
	s17 =	sadd.s32 $0x80, s17  }
0x51: {  	s21 =	sadd.s32 $0x4, s21;
	v0 =	vld [tilespmem:s17+$0x30];
	[tilespmem:s18+$0x1830 ss:$0x81] =	vst.msk $0xffff, v7  }
.Ltmp4:
0x52: {  	_ = 	snop;
	(pc) =	sbr.rel .LBB1_4-.Ltmp4, $1  }
0x53: {  	_ =	sdelay $0x3  }
.LBB1_6:
0x54: {  	_ =	sfence.sel $0x180000  }
0x55: {  	s1 =	simm.s32 $0x1;
	[bflag:$0x0] =	sbarrier.arrive $0xFFFF  }
0x56: {  	s31 =	simm.s32 $0x2;
	[sflag:s1] =	ssyncpa.u1 $0x1  }
0x57: {  	[sflag:s31] =	ssyncpa.u1 $0x1  }
0x58: {  	p0 =	sne.s32 s3, $0x0;
	_ =	strace $0x90000047  }
0x59: {  	s0 =	sadd.s32 @!p0 $0x100000, s0;
	[bflag:$0x2] =	sbarrier.arrive $0xFFFF  }
0x5a: {  	[sflag:s0] =	ssyncadd.tile.s32 @!p0 $0x1;
	_ =	shalt  }
.Lfunc_end1:
_tile_overlayer_lowered:
.L_overlay_start_2:
0x5b: {  	(tag) =	ssettag $0x2  }
0x5c: {  	s0 =	rddreg [dreg:$0x0];
	s2 =	stileid.u32  }
0x5d: {  	s1 =	rddreg [dreg:$0x1];
	p0 =	sne.s32 s2, $0x0  }
0x5e: {  	s3 =	rddreg [dreg:$0x2];
	[bflag:$0x3] =	sbarrier.arrive $0xFFFF;
	s2 =	simm.s32 @!p0 $0x1C01  }
0x5f: {  	[timem:s3], [sflag:s2] =	dma.local @!p0 [hbm:s0], s1  }
0x60: {  	s0 =	simm.s32 @!p0 $0x1  }
0x61: {  	_ =	swait.ge @!p0 [sflag:s0], s1  }
0x62: {  	s1 =	ssub.s32 @!p0 $0x0, s1;
	[sflag:s0] =	ssyncset.done @!p0 $0x0  }
0x63: {  	[sflag:s0] =	ssyncadd.s32 @!p0 s1  }
0x64: {  	[bflag:$0x3] =	sbarrier.arrive $0xFFFF  }
0x65: {  	_ =	shalt  }

</sc_bundles>
